<compile_context>
chip_gen: v7x
topology: tpu7x:2x2x1
jax: 0.10.2.dev20260603
libtpu: 0.0.44.dev20260713+nightly
codegen_flags: <defaults>
</compile_context>

<pallas_src>
import functools

import jax
import jax.numpy as jnp
from jax import lax
from jax.experimental import pallas as pl
from jax.experimental.pallas import tpu as pltpu
from jax.experimental.pallas import tpu_sc as plsc

_N = 10000
_E = 320000
_IN = 128
_H = 146
_HP = 160
_K = 7000
_NCONV = 4

_NC = 2
_NS = 16
_FS = _HP // _NC
_EPS = _E // _NS
_CH = 128
_NCHUNK = -(-_EPS // _CH)
_EPS_PAD = _NCHUNK * _CH
_NPAD = 10240



def _emb_l0_body(x_ref, wemb_ref, bemb_ref, w0_ref, out_ref):
    h0 = jnp.dot(x_ref[...], wemb_ref[...],
                 preferred_element_type=jnp.float32) + bemb_ref[...]
    hw = jnp.dot(h0, w0_ref[...], preferred_element_type=jnp.float32)
    z = jnp.zeros((_NPAD - _N, _FS), jnp.float32)
    out_ref[0] = jnp.concatenate([hw[:, :_FS], z], axis=0)
    out_ref[1] = jnp.concatenate([hw[:, _FS:], z], axis=0)




def _layer_body(p_ref, b_ref, w_ref, out_ref):
    agg = jnp.concatenate([p_ref[0], p_ref[1]], axis=1)
    h = jnp.maximum(agg + b_ref[...], 0.0)
    hw = jnp.dot(h, w_ref[...], preferred_element_type=jnp.float32)
    out_ref[0] = hw[:, :_FS]
    out_ref[1] = hw[:, _FS:]


def _topk_body(p_ref, b_ref, w_ref, out_ref):
    agg = jnp.concatenate([p_ref[0], p_ref[1]], axis=1)
    h = jnp.maximum(agg + b_ref[...], 0.0)
    w = w_ref[...]
    norm = jnp.sqrt(jnp.sum(w * w))
    sraw = lax.dot_general(w, h, (((1,), (1,)), ((), ())),
                           preferred_element_type=jnp.float32)
    score = jnp.tanh(sraw / norm)
    bits = lax.bitcast_convert_type(score, jnp.int32)
    key = jnp.where(bits >= 0, bits, bits ^ jnp.int32(0x7FFFFFFF))
    kk = jnp.int32(_K)
    int_min = jnp.int32(-(2 ** 31))
    idx = lax.broadcasted_iota(jnp.int32, (1, _NPAD), 1)
    key = jnp.where(idx < _N, key, int_min)
    cnt0 = jnp.sum((key >= 0).astype(jnp.int32))
    t0 = jnp.where(cnt0 >= kk, jnp.int32(0), int_min)

    def sstep(i, t):
        cand = t + (jnp.int32(1) << (jnp.int32(30) - i))
        cnt = jnp.sum((key >= cand).astype(jnp.int32))
        return jnp.where(cnt >= kk, cand, t)

    t = lax.fori_loop(0, 31, sstep, t0)
    c_gt = jnp.sum((key > t).astype(jnp.int32))
    r = kk - c_gt
    tie = key == t

    def istep(i, m):
        cand = m + (jnp.int32(1) << (jnp.int32(13) - i))
        f = jnp.sum((tie & (idx < cand)).astype(jnp.int32))
        return jnp.where(f <= r, cand, m)

    m = lax.fori_loop(0, 14, istep, jnp.int32(0))
    sel = (key > t) | (tie & (idx < m))
    wsel = jnp.where(sel, score, 0.0)
    out = jnp.dot(wsel, h, preferred_element_type=jnp.float32)
    out_ref[...] = out * (1.0 / _K)


def _tc_emb_l0(x, wemb, bemb, w0):
    return pl.pallas_call(
        _emb_l0_body,
        out_shape=jax.ShapeDtypeStruct((_NC, _NPAD, _FS), jnp.float32),
    )(x, wemb, bemb, w0)


def _tc_layer(p, b, w):
    return pl.pallas_call(
        _layer_body,
        out_shape=jax.ShapeDtypeStruct((_NC, _NPAD, _FS), jnp.float32),
    )(p, b, w)


def _tc_topk(p, b, w):
    return pl.pallas_call(
        _topk_body,
        out_shape=jax.ShapeDtypeStruct((1, _HP), jnp.float32),
    )(p, b, w)



def _sc_body(hw_hbm, src_hbm, dst_hbm, out_hbm, sidx_v, didx_v, rows_v,
             rows2_v, agg_sh, sem, sem2):
    c = lax.axis_index("c")
    s = lax.axis_index("s")
    tab = hw_hbm.at[c]
    pltpu.async_copy(src_hbm.at[s], sidx_v, sem)
    pltpu.async_copy(dst_hbm.at[s], didx_v, sem2)

    def _zb(i, carry):
        rows2_v[i // (_FS // 16), pl.ds((i % (_FS // 16)) * 16, 16)] = (
            jnp.zeros((16,), jnp.float32))
        return carry

    lax.fori_loop(0, _CH * (_FS // 16), _zb, 0)
    pltpu.make_async_copy(src_hbm.at[s], sidx_v, sem).wait()
    pltpu.async_copy(tab.at[sidx_v.at[0]], rows_v, sem)
    rows_per_tile = _NPAD // _NS
    for t in range(rows_per_tile // _CH):
        pltpu.sync_copy(
            rows2_v, agg_sh.at[pl.ds(s * rows_per_tile + t * _CH, _CH)])
    pltpu.make_async_copy(dst_hbm.at[s], didx_v, sem2).wait()
    plsc.subcore_barrier()


    def _pair(jj, carry):
        j = jj * 2
        pltpu.async_copy(tab.at[sidx_v.at[j + 1]], rows2_v, sem2)
        pltpu.make_async_copy(tab.at[sidx_v.at[j]], rows_v, sem).wait()
        pltpu.sync_copy(rows_v, agg_sh.at[didx_v.at[j]], add=True)
        pltpu.async_copy(tab.at[sidx_v.at[j + 2]], rows_v, sem)
        pltpu.make_async_copy(
            tab.at[sidx_v.at[j + 1]], rows2_v, sem2).wait()
        pltpu.sync_copy(rows2_v, agg_sh.at[didx_v.at[j + 1]], add=True)
        return carry

    lax.fori_loop(0, (_NCHUNK - 1) // 2, _pair, 0)
    pltpu.make_async_copy(
        tab.at[sidx_v.at[_NCHUNK - 1]], rows_v, sem).wait()
    pltpu.sync_copy(rows_v, agg_sh.at[didx_v.at[_NCHUNK - 1]], add=True)
    plsc.subcore_barrier()

    out_rows = _NPAD // _NS
    pltpu.sync_copy(agg_sh.at[pl.ds(s * out_rows, out_rows)],
                    out_hbm.at[c, pl.ds(s * out_rows, out_rows)])


@jax.jit
def _sc_scatter(hw, src_p, dst_p):
    mesh = plsc.VectorSubcoreMesh(core_axis_name="c", subcore_axis_name="s")
    k = functools.partial(
        pl.kernel,
        out_type=jax.ShapeDtypeStruct((_NC, _NPAD, _FS), jnp.float32),
        mesh=mesh,
        scratch_types=[
            pltpu.VMEM((_NCHUNK, _CH), jnp.int32),
            pltpu.VMEM((_NCHUNK, _CH), jnp.int32),
            pltpu.VMEM((_CH, _FS), jnp.float32),
            pltpu.VMEM((_CH, _FS), jnp.float32),
            pltpu.VMEM_SHARED((_NPAD, _FS), jnp.float32),
            pltpu.SemaphoreType.DMA,
            pltpu.SemaphoreType.DMA,
        ],
        compiler_params=pltpu.CompilerParams(use_tc_tiling_on_sc=False),
    )(_sc_body)
    return k(hw, src_p, dst_p)



def _prep_edges(edge_index):
    src = edge_index[0].reshape(_NS, _EPS)
    dst = edge_index[1].reshape(_NS, _EPS)
    pad = _EPS_PAD - _EPS
    pad_src = jnp.zeros((_NS, pad), jnp.int32)
    off = (jnp.arange(_NS, dtype=jnp.int32)[:, None] * pad
           + jnp.arange(pad, dtype=jnp.int32)[None, :])
    pad_dst = _N + off % (_NPAD - _N)
    src_p = jnp.concatenate([src, pad_src], axis=1).reshape(_NS, _NCHUNK, _CH)
    dst_p = jnp.concatenate([dst, pad_dst], axis=1).reshape(_NS, _NCHUNK, _CH)
    return src_p, dst_p


def kernel(x, edge_index, batch, W_emb, b_emb, conv_W, conv_b, topk_w):
    f32 = jnp.float32
    wemb = jnp.pad(W_emb.astype(f32), ((0, 0), (0, _HP - _H)))
    bemb = jnp.pad(b_emb.astype(f32), (0, _HP - _H)).reshape(1, _HP)
    convw = jnp.pad(conv_W.astype(f32), ((0, 0), (0, _HP - _H), (0, _HP - _H)))
    convb = jnp.pad(conv_b.astype(f32), ((0, 0), (0, _HP - _H)))
    wtop = jnp.pad(topk_w.astype(f32), (0, _HP - _H)).reshape(1, _HP)

    src_p, dst_p = _prep_edges(edge_index)

    hw = _tc_emb_l0(x.astype(f32), wemb, bemb, convw[0])
    out = None
    for li in range(_NCONV):
        p = _sc_scatter(hw, src_p, dst_p)
        b = convb[li].reshape(1, _HP)
        if li + 1 < _NCONV:
            hw = _tc_layer(p, b, convw[li + 1])
        else:
            out = _tc_topk(p, b, wtop)
    return out[:, :_H]

# --- scband reference (transcript-rebuilt; emitter-appended) ---
"""Pipeline reference for scband-gcnnet-top-k1-51599737094935 (READ-ONLY COPY).

The authoritative reference and input builder live on the scoring server;
editing this copy changes nothing except your own understanding.
"""

import jax, jax.numpy as jnp
import numpy as np
import math

N = 10000
E = 320000
IN_DIM = 128
H = 146
NUM_CONVS = 4
RATIO = 0.7


def setup_inputs(seed: int = 0) -> dict:
    key = jax.random.key(seed)
    ks = jax.random.split(key, 10)
    inp = {}
    inp["x"] = jax.random.normal(ks[0], (N, IN_DIM), dtype=jnp.float32)
    inp["edge_index"] = jax.random.randint(ks[1], (2, E), 0, N, dtype=jnp.int32)
    inp["batch"] = jnp.zeros((N,), dtype=jnp.int32)
    # learned parameters
    inp["W_emb"] = jax.random.normal(ks[2], (IN_DIM, H), dtype=jnp.float32) * (1.0 / math.sqrt(IN_DIM))
    inp["b_emb"] = jnp.zeros((H,), dtype=jnp.float32)
    inp["conv_W"] = jax.random.normal(ks[3], (NUM_CONVS, H, H), dtype=jnp.float32) * (1.0 / math.sqrt(H))
    inp["conv_b"] = jnp.zeros((NUM_CONVS, H), dtype=jnp.float32)
    inp["topk_w"] = jax.random.normal(ks[4], (H,), dtype=jnp.float32) * (1.0 / math.sqrt(H))
    return inp


def _gcn_conv(x, W, b, src, dst):
    # PyG GCNConv with normalize=False: linear -> scatter-add over dst -> bias
    h = x @ W
    agg = jnp.zeros((x.shape[0], W.shape[1]), dtype=x.dtype).at[dst].add(h[src])
    return agg + b


def reference(x, edge_index, batch, W_emb, b_emb, conv_W, conv_b, topk_w):
    src = edge_index[0]
    dst = edge_index[1]
    h = x @ W_emb + b_emb
    for i in range(NUM_CONVS):
        h = jax.nn.relu(_gcn_conv(h, conv_W[i], conv_b[i], src, dst))
    # TopKPooling(ratio=0.7), single graph (batch all zeros)
    score = jnp.tanh((h * topk_w).sum(axis=-1) / jnp.linalg.norm(topk_w))
    k = int(math.ceil(RATIO * N))
    vals, perm = jax.lax.top_k(score, k)
    x_sel = h[perm] * vals[:, None]
    batch_sel = batch[perm]
    # global_mean_pool over batch ids (1 graph)
    summed = jax.ops.segment_sum(x_sel, batch_sel, num_segments=1)
    counts = jax.ops.segment_sum(jnp.ones((k,), dtype=x_sel.dtype), batch_sel, num_segments=1)
    hg = summed / counts[:, None]
    return hg

if __name__ == "__main__":
    import jax
    _d = setup_inputs()
    print(jax.jit(kernel)(*tuple(_d.values())))

</pallas_src>

<mosaic_0001>
#map = affine_map<(d0, d1) -> (0, 0, 0)>
module attributes {stable_mosaic.version = 14 : i64} {
  func.func @_sc_body(%arg0: i32, %arg1: i32, %arg2: memref<2x10240x80xf32, #tpu.memory_space<hbm>>, %arg3: memref<16x157x128xi32, #tpu.memory_space<hbm>>, %arg4: memref<16x157x128xi32, #tpu.memory_space<hbm>>, %arg5: memref<2x10240x80xf32, #tpu.memory_space<hbm>>, %arg6: memref<157x128xi32, #tpu.memory_space<vmem>>, %arg7: memref<157x128xi32, #tpu.memory_space<vmem>>, %arg8: memref<128x80xf32, #tpu.memory_space<vmem>>, %arg9: memref<128x80xf32, #tpu.memory_space<vmem>>, %arg10: memref<10240x80xf32, #tpu.memory_space<vmem_shared>>, %arg11: memref<!tpu.dma_semaphore, #tpu.memory_space<semaphore_mem>>, %arg12: memref<!tpu.dma_semaphore, #tpu.memory_space<semaphore_mem>>) attributes {dimension_semantics = [#tpu.dimension_semantics<core_parallel>, #tpu.dimension_semantics<subcore_parallel>], iteration_bounds = array<i64: 2, 16>, scalar_prefetch = 0 : i64, scratch_operands = 7 : i64, tpu.core_type = #tpu.core_type<sc_vector_subcore>, window_params = [{transform_indices = #map}, {transform_indices = #map}, {transform_indices = #map}, {transform_indices = #map}]} {
    %dma_start3A = arith.constant 0 : i32
    %dma_start3A_0 = arith.constant 0 : i32
    %dma_start3A_1 = tpu.memref_slice %arg3[%arg1, %dma_start3A, %dma_start3A_0] : memref<16x157x128xi32, #tpu.memory_space<hbm>> -> memref<1x157x128xi32, #tpu.memory_space<hbm>>
    %dma_start3A_2 = tpu.memref_squeeze %dma_start3A_1 : memref<1x157x128xi32, #tpu.memory_space<hbm>> -> memref<157x128xi32, #tpu.memory_space<hbm>>
    %dma_start3A_3 = arith.constant 0 : i32
    %dma_start3A_4 = arith.constant 0 : i32
    %dma_start3A_5 = tpu.memref_slice %arg3[%arg1, %dma_start3A_3, %dma_start3A_4] : memref<16x157x128xi32, #tpu.memory_space<hbm>> -> memref<1x157x128xi32, #tpu.memory_space<hbm>>
    %dma_start3A_6 = tpu.memref_squeeze %dma_start3A_5 : memref<1x157x128xi32, #tpu.memory_space<hbm>> -> memref<157x128xi32, #tpu.memory_space<hbm>>
    tpu.enqueue_dma source(%dma_start3A_6 : memref<157x128xi32, #tpu.memory_space<hbm>>) target(%arg6 : memref<157x128xi32, #tpu.memory_space<vmem>>) target_semaphore(%arg11 : memref<!tpu.dma_semaphore, #tpu.memory_space<semaphore_mem>>)
    %dma_start3A_7 = arith.constant 0 : i32
    %dma_start3A_8 = arith.constant 0 : i32
    %dma_start3A_9 = tpu.memref_slice %arg4[%arg1, %dma_start3A_7, %dma_start3A_8] : memref<16x157x128xi32, #tpu.memory_space<hbm>> -> memref<1x157x128xi32, #tpu.memory_space<hbm>>
    %dma_start3A_10 = tpu.memref_squeeze %dma_start3A_9 : memref<1x157x128xi32, #tpu.memory_space<hbm>> -> memref<157x128xi32, #tpu.memory_space<hbm>>
    %dma_start3A_11 = arith.constant 0 : i32
    %dma_start3A_12 = arith.constant 0 : i32
    %dma_start3A_13 = tpu.memref_slice %arg4[%arg1, %dma_start3A_11, %dma_start3A_12] : memref<16x157x128xi32, #tpu.memory_space<hbm>> -> memref<1x157x128xi32, #tpu.memory_space<hbm>>
    %dma_start3A_14 = tpu.memref_squeeze %dma_start3A_13 : memref<1x157x128xi32, #tpu.memory_space<hbm>> -> memref<157x128xi32, #tpu.memory_space<hbm>>
    tpu.enqueue_dma source(%dma_start3A_14 : memref<157x128xi32, #tpu.memory_space<hbm>>) target(%arg7 : memref<157x128xi32, #tpu.memory_space<vmem>>) target_semaphore(%arg12 : memref<!tpu.dma_semaphore, #tpu.memory_space<semaphore_mem>>)
    %scan3A = arith.constant 0 : i32
    %scan3A_15 = arith.constant 0 : i32
    %scan3A_16 = arith.constant 640 : i32
    %scan3A_17 = arith.addi %scan3A_15, %scan3A_16 : i32
    %scan3A_18 = arith.constant 1 : i32
    scf.for %scan3A_86 = %scan3A_15 to %scan3A_17 step %scan3A_18  : i32 {
      %broadcast_in_dim3A = arith.constant 0.000000e+00 : f32
      %broadcast_in_dim3A_87 = vector.broadcast %broadcast_in_dim3A : f32 to vector<16xf32>
      %jit3A = arith.constant 5 : i32
      %div3A = arith.divsi %scan3A_86, %jit3A : i32
      %sign3A = arith.constant 0 : i32
      %sign3A_88 = arith.cmpi sgt, %scan3A_86, %sign3A : i32
      %sign3A_89 = arith.extui %sign3A_88 : i1 to i32
      %sign3A_90 = arith.constant 0 : i32
      %sign3A_91 = arith.cmpi slt, %scan3A_86, %sign3A_90 : i32
      %sign3A_92 = arith.extui %sign3A_91 : i1 to i32
      %sign3A_93 = arith.subi %sign3A_89, %sign3A_92 : i32
      %sign3A_94 = arith.constant 0 : i32
      %sign3A_95 = arith.cmpi sgt, %jit3A, %sign3A_94 : i32
      %sign3A_96 = arith.extui %sign3A_95 : i1 to i32
      %sign3A_97 = arith.constant 0 : i32
      %sign3A_98 = arith.cmpi slt, %jit3A, %sign3A_97 : i32
      %sign3A_99 = arith.extui %sign3A_98 : i1 to i32
      %sign3A_100 = arith.subi %sign3A_96, %sign3A_99 : i32
      %ne3A = arith.cmpi ne, %sign3A_93, %sign3A_100 : i32
      %rem3A = arith.remsi %scan3A_86, %jit3A : i32
      %ne3A_101 = arith.constant 0 : i32
      %ne3A_102 = arith.cmpi ne, %rem3A, %ne3A_101 : i32
      %and3A = arith.andi %ne3A, %ne3A_102 : i1
      %sub3A = arith.constant 1 : i32
      %sub3A_103 = arith.subi %div3A, %sub3A : i32
      %select_n3A = arith.select %and3A, %sub3A_103, %div3A : i32
      %jit3A_104 = arith.constant 5 : i32
      %eq3A = arith.constant 0 : i32
      %eq3A_105 = arith.cmpi eq, %jit3A_104, %eq3A : i32
      %jit3A_106 = arith.constant 1 : i32
      %select_n3A_107 = arith.select %eq3A_105, %jit3A_106, %jit3A_104 : i32
      %rem3A_108 = arith.remsi %scan3A_86, %select_n3A_107 : i32
      %ne3A_109 = arith.constant 0 : i32
      %ne3A_110 = arith.cmpi ne, %rem3A_108, %ne3A_109 : i32
      %lt3A = arith.constant 0 : i32
      %lt3A_111 = arith.cmpi slt, %rem3A_108, %lt3A : i32
      %lt3A_112 = arith.constant 0 : i32
      %lt3A_113 = arith.cmpi slt, %select_n3A_107, %lt3A_112 : i32
      %ne3A_114 = arith.xori %lt3A_111, %lt3A_113 : i1
      %and3A_115 = arith.andi %ne3A_114, %ne3A_110 : i1
      %add3A_116 = arith.addi %rem3A_108, %select_n3A_107 : i32
      %select_n3A_117 = arith.select %and3A_115, %add3A_116, %rem3A_108 : i32
      %mul3A_118 = arith.constant 16 : i32
      %mul3A_119 = arith.muli %select_n3A_117, %mul3A_118 : i32
      %swap3A = arith.index_cast %select_n3A : i32 to index
      %swap3A_120 = arith.index_cast %mul3A_119 : i32 to index
      %swap3A_121 = tpu.vector_load %arg9[%swap3A, %swap3A_120] {strides = array<i32>} : memref<128x80xf32, #tpu.memory_space<vmem>>, vector<1x16xf32>,
      %swap3A_122 = vector.shape_cast %swap3A_121 : vector<1x16xf32> to vector<16xf32>
      %swap3A_123 = vector.shape_cast %broadcast_in_dim3A_87 : vector<16xf32> to vector<1x16xf32>
      tpu.vector_store %arg9[%swap3A, %swap3A_120], %swap3A_123 {strides = array<i32>} : memref<128x80xf32, #tpu.memory_space<vmem>>, vector<1x16xf32>,
    }
    %scan3A_19 = arith.constant 640 : i32
    %dma_wait3A = arith.constant 0 : i32
    %dma_wait3A_20 = arith.constant 0 : i32
    %dma_wait3A_21 = tpu.memref_slice %arg3[%arg1, %dma_wait3A, %dma_wait3A_20] : memref<16x157x128xi32, #tpu.memory_space<hbm>> -> memref<1x157x128xi32, #tpu.memory_space<hbm>>
    %dma_wait3A_22 = tpu.memref_squeeze %dma_wait3A_21 : memref<1x157x128xi32, #tpu.memory_space<hbm>> -> memref<157x128xi32, #tpu.memory_space<hbm>>
    %dma_wait3A_23 = arith.constant 0 : i32
    %dma_wait3A_24 = arith.constant 0 : i32
    %dma_wait3A_25 = tpu.memref_slice %arg3[%arg1, %dma_wait3A_23, %dma_wait3A_24] : memref<16x157x128xi32, #tpu.memory_space<hbm>> -> memref<1x157x128xi32, #tpu.memory_space<hbm>>
    %dma_wait3A_26 = tpu.memref_squeeze %dma_wait3A_25 : memref<1x157x128xi32, #tpu.memory_space<hbm>> -> memref<157x128xi32, #tpu.memory_space<hbm>>
    tpu.wait_dma2 semaphore(%arg11 : memref<!tpu.dma_semaphore, #tpu.memory_space<semaphore_mem>>) src(%dma_wait3A_26 : memref<157x128xi32, #tpu.memory_space<hbm>>) dst(%arg6 : memref<157x128xi32, #tpu.memory_space<vmem>>)
    %dma_start3A_27 = arith.constant 0 : i32
    %dma_start3A_28 = arith.constant 0 : i32
    %dma_start3A_29 = tpu.memref_slice %arg6[%dma_start3A_27, %dma_start3A_28] : memref<157x128xi32, #tpu.memory_space<vmem>> -> memref<1x128xi32, #tpu.memory_space<vmem>>
    %dma_start3A_30 = tpu.memref_squeeze %dma_start3A_29 : memref<1x128xi32, #tpu.memory_space<vmem>> -> memref<128xi32, #tpu.memory_space<vmem>>
    %dma_start3A_31 = arith.constant 0 : i32
    %dma_start3A_32 = arith.constant 0 : i32
    %dma_start3A_33 = tpu.memref_slice %arg2[%arg0, %dma_start3A_31, %dma_start3A_32] : memref<2x10240x80xf32, #tpu.memory_space<hbm>> -> memref<1x10240x80xf32, #tpu.memory_space<hbm>>
    %dma_start3A_34 = tpu.memref_squeeze %dma_start3A_33 : memref<1x10240x80xf32, #tpu.memory_space<hbm>> -> memref<10240x80xf32, #tpu.memory_space<hbm>>
    %dma_start3A_35 = arith.constant 0 : i32
    %dma_start3A_36 = arith.constant 0 : i32
    %dma_start3A_37 = tpu.memref_slice %dma_start3A_34[%dma_start3A_35, %dma_start3A_36] : memref<10240x80xf32, #tpu.memory_space<hbm>> -> memref<10240x80xf32, #tpu.memory_space<hbm>>
    tpu.enqueue_indirect_dma source(%dma_start3A_37 : memref<10240x80xf32, #tpu.memory_space<hbm>>) target(%arg8 : memref<128x80xf32, #tpu.memory_space<vmem>>) offsets(%dma_start3A_30 : memref<128xi32, #tpu.memory_space<vmem>>) semaphore(%arg11 : memref<!tpu.dma_semaphore, #tpu.memory_space<semaphore_mem>>)
    %mul3A = arith.constant 640 : i32
    %mul3A_38 = arith.muli %arg1, %mul3A : i32
    %add3A = arith.constant 0 : i32
    %add3A_39 = arith.addi %mul3A_38, %add3A : i32
    "tpu.region"() ({
      %run_scoped3A_86 = tpu.sem_alloc : memref<!tpu.dma_semaphore, #tpu.memory_space<semaphore_mem>>
      %dma_start3A_87 = arith.constant 0 : i32
      %dma_start3A_88 = tpu.memref_slice %arg10[%add3A_39, %dma_start3A_87] : memref<10240x80xf32, #tpu.memory_space<vmem_shared>> -> memref<128x80xf32, #tpu.memory_space<vmem_shared>>
      %dma_start3A_89 = arith.constant 0 : i32
      %dma_start3A_90 = tpu.memref_slice %arg10[%add3A_39, %dma_start3A_89] : memref<10240x80xf32, #tpu.memory_space<vmem_shared>> -> memref<128x80xf32, #tpu.memory_space<vmem_shared>>
      tpu.enqueue_dma source(%arg9 : memref<128x80xf32, #tpu.memory_space<vmem>>) target(%dma_start3A_90 : memref<128x80xf32, #tpu.memory_space<vmem_shared>>) target_semaphore(%run_scoped3A_86 : memref<!tpu.dma_semaphore, #tpu.memory_space<semaphore_mem>>)
      %dma_wait3A_91 = arith.constant 0 : i32
      %dma_wait3A_92 = tpu.memref_slice %arg10[%add3A_39, %dma_wait3A_91] : memref<10240x80xf32, #tpu.memory_space<vmem_shared>> -> memref<128x80xf32, #tpu.memory_space<vmem_shared>>
      %dma_wait3A_93 = arith.constant 0 : i32
      %dma_wait3A_94 = tpu.memref_slice %arg10[%add3A_39, %dma_wait3A_93] : memref<10240x80xf32, #tpu.memory_space<vmem_shared>> -> memref<128x80xf32, #tpu.memory_space<vmem_shared>>
      tpu.wait_dma2 semaphore(%run_scoped3A_86 : memref<!tpu.dma_semaphore, #tpu.memory_space<semaphore_mem>>) src(%arg9 : memref<128x80xf32, #tpu.memory_space<vmem>>) dst(%dma_wait3A_94 : memref<128x80xf32, #tpu.memory_space<vmem_shared>>)
      tpu.yield
    }) : () -> ()
    %mul3A_40 = arith.constant 640 : i32
    %mul3A_41 = arith.muli %arg1, %mul3A_40 : i32
    %add3A_42 = arith.constant 128 : i32
    %add3A_43 = arith.addi %mul3A_41, %add3A_42 : i32
    "tpu.region"() ({
      %run_scoped3A_86 = tpu.sem_alloc : memref<!tpu.dma_semaphore, #tpu.memory_space<semaphore_mem>>
      %dma_start3A_87 = arith.constant 0 : i32
      %dma_start3A_88 = tpu.memref_slice %arg10[%add3A_43, %dma_start3A_87] : memref<10240x80xf32, #tpu.memory_space<vmem_shared>> -> memref<128x80xf32, #tpu.memory_space<vmem_shared>>
      %dma_start3A_89 = arith.constant 0 : i32
      %dma_start3A_90 = tpu.memref_slice %arg10[%add3A_43, %dma_start3A_89] : memref<10240x80xf32, #tpu.memory_space<vmem_shared>> -> memref<128x80xf32, #tpu.memory_space<vmem_shared>>
      tpu.enqueue_dma source(%arg9 : memref<128x80xf32, #tpu.memory_space<vmem>>) target(%dma_start3A_90 : memref<128x80xf32, #tpu.memory_space<vmem_shared>>) target_semaphore(%run_scoped3A_86 : memref<!tpu.dma_semaphore, #tpu.memory_space<semaphore_mem>>)
      %dma_wait3A_91 = arith.constant 0 : i32
      %dma_wait3A_92 = tpu.memref_slice %arg10[%add3A_43, %dma_wait3A_91] : memref<10240x80xf32, #tpu.memory_space<vmem_shared>> -> memref<128x80xf32, #tpu.memory_space<vmem_shared>>
      %dma_wait3A_93 = arith.constant 0 : i32
      %dma_wait3A_94 = tpu.memref_slice %arg10[%add3A_43, %dma_wait3A_93] : memref<10240x80xf32, #tpu.memory_space<vmem_shared>> -> memref<128x80xf32, #tpu.memory_space<vmem_shared>>
      tpu.wait_dma2 semaphore(%run_scoped3A_86 : memref<!tpu.dma_semaphore, #tpu.memory_space<semaphore_mem>>) src(%arg9 : memref<128x80xf32, #tpu.memory_space<vmem>>) dst(%dma_wait3A_94 : memref<128x80xf32, #tpu.memory_space<vmem_shared>>)
      tpu.yield
    }) : () -> ()
    %mul3A_44 = arith.constant 640 : i32
    %mul3A_45 = arith.muli %arg1, %mul3A_44 : i32
    %add3A_46 = arith.constant 256 : i32
    %add3A_47 = arith.addi %mul3A_45, %add3A_46 : i32
    "tpu.region"() ({
      %run_scoped3A_86 = tpu.sem_alloc : memref<!tpu.dma_semaphore, #tpu.memory_space<semaphore_mem>>
      %dma_start3A_87 = arith.constant 0 : i32
      %dma_start3A_88 = tpu.memref_slice %arg10[%add3A_47, %dma_start3A_87] : memref<10240x80xf32, #tpu.memory_space<vmem_shared>> -> memref<128x80xf32, #tpu.memory_space<vmem_shared>>
      %dma_start3A_89 = arith.constant 0 : i32
      %dma_start3A_90 = tpu.memref_slice %arg10[%add3A_47, %dma_start3A_89] : memref<10240x80xf32, #tpu.memory_space<vmem_shared>> -> memref<128x80xf32, #tpu.memory_space<vmem_shared>>
      tpu.enqueue_dma source(%arg9 : memref<128x80xf32, #tpu.memory_space<vmem>>) target(%dma_start3A_90 : memref<128x80xf32, #tpu.memory_space<vmem_shared>>) target_semaphore(%run_scoped3A_86 : memref<!tpu.dma_semaphore, #tpu.memory_space<semaphore_mem>>)
      %dma_wait3A_91 = arith.constant 0 : i32
      %dma_wait3A_92 = tpu.memref_slice %arg10[%add3A_47, %dma_wait3A_91] : memref<10240x80xf32, #tpu.memory_space<vmem_shared>> -> memref<128x80xf32, #tpu.memory_space<vmem_shared>>
      %dma_wait3A_93 = arith.constant 0 : i32
      %dma_wait3A_94 = tpu.memref_slice %arg10[%add3A_47, %dma_wait3A_93] : memref<10240x80xf32, #tpu.memory_space<vmem_shared>> -> memref<128x80xf32, #tpu.memory_space<vmem_shared>>
      tpu.wait_dma2 semaphore(%run_scoped3A_86 : memref<!tpu.dma_semaphore, #tpu.memory_space<semaphore_mem>>) src(%arg9 : memref<128x80xf32, #tpu.memory_space<vmem>>) dst(%dma_wait3A_94 : memref<128x80xf32, #tpu.memory_space<vmem_shared>>)
      tpu.yield
    }) : () -> ()
    %mul3A_48 = arith.constant 640 : i32
    %mul3A_49 = arith.muli %arg1, %mul3A_48 : i32
    %add3A_50 = arith.constant 384 : i32
    %add3A_51 = arith.addi %mul3A_49, %add3A_50 : i32
    "tpu.region"() ({
      %run_scoped3A_86 = tpu.sem_alloc : memref<!tpu.dma_semaphore, #tpu.memory_space<semaphore_mem>>
      %dma_start3A_87 = arith.constant 0 : i32
      %dma_start3A_88 = tpu.memref_slice %arg10[%add3A_51, %dma_start3A_87] : memref<10240x80xf32, #tpu.memory_space<vmem_shared>> -> memref<128x80xf32, #tpu.memory_space<vmem_shared>>
      %dma_start3A_89 = arith.constant 0 : i32
      %dma_start3A_90 = tpu.memref_slice %arg10[%add3A_51, %dma_start3A_89] : memref<10240x80xf32, #tpu.memory_space<vmem_shared>> -> memref<128x80xf32, #tpu.memory_space<vmem_shared>>
      tpu.enqueue_dma source(%arg9 : memref<128x80xf32, #tpu.memory_space<vmem>>) target(%dma_start3A_90 : memref<128x80xf32, #tpu.memory_space<vmem_shared>>) target_semaphore(%run_scoped3A_86 : memref<!tpu.dma_semaphore, #tpu.memory_space<semaphore_mem>>)
      %dma_wait3A_91 = arith.constant 0 : i32
      %dma_wait3A_92 = tpu.memref_slice %arg10[%add3A_51, %dma_wait3A_91] : memref<10240x80xf32, #tpu.memory_space<vmem_shared>> -> memref<128x80xf32, #tpu.memory_space<vmem_shared>>
      %dma_wait3A_93 = arith.constant 0 : i32
      %dma_wait3A_94 = tpu.memref_slice %arg10[%add3A_51, %dma_wait3A_93] : memref<10240x80xf32, #tpu.memory_space<vmem_shared>> -> memref<128x80xf32, #tpu.memory_space<vmem_shared>>
      tpu.wait_dma2 semaphore(%run_scoped3A_86 : memref<!tpu.dma_semaphore, #tpu.memory_space<semaphore_mem>>) src(%arg9 : memref<128x80xf32, #tpu.memory_space<vmem>>) dst(%dma_wait3A_94 : memref<128x80xf32, #tpu.memory_space<vmem_shared>>)
      tpu.yield
    }) : () -> ()
    %mul3A_52 = arith.constant 640 : i32
    %mul3A_53 = arith.muli %arg1, %mul3A_52 : i32
    %add3A_54 = arith.constant 512 : i32
    %add3A_55 = arith.addi %mul3A_53, %add3A_54 : i32
    "tpu.region"() ({
      %run_scoped3A_86 = tpu.sem_alloc : memref<!tpu.dma_semaphore, #tpu.memory_space<semaphore_mem>>
      %dma_start3A_87 = arith.constant 0 : i32
      %dma_start3A_88 = tpu.memref_slice %arg10[%add3A_55, %dma_start3A_87] : memref<10240x80xf32, #tpu.memory_space<vmem_shared>> -> memref<128x80xf32, #tpu.memory_space<vmem_shared>>
      %dma_start3A_89 = arith.constant 0 : i32
      %dma_start3A_90 = tpu.memref_slice %arg10[%add3A_55, %dma_start3A_89] : memref<10240x80xf32, #tpu.memory_space<vmem_shared>> -> memref<128x80xf32, #tpu.memory_space<vmem_shared>>
      tpu.enqueue_dma source(%arg9 : memref<128x80xf32, #tpu.memory_space<vmem>>) target(%dma_start3A_90 : memref<128x80xf32, #tpu.memory_space<vmem_shared>>) target_semaphore(%run_scoped3A_86 : memref<!tpu.dma_semaphore, #tpu.memory_space<semaphore_mem>>)
      %dma_wait3A_91 = arith.constant 0 : i32
      %dma_wait3A_92 = tpu.memref_slice %arg10[%add3A_55, %dma_wait3A_91] : memref<10240x80xf32, #tpu.memory_space<vmem_shared>> -> memref<128x80xf32, #tpu.memory_space<vmem_shared>>
      %dma_wait3A_93 = arith.constant 0 : i32
      %dma_wait3A_94 = tpu.memref_slice %arg10[%add3A_55, %dma_wait3A_93] : memref<10240x80xf32, #tpu.memory_space<vmem_shared>> -> memref<128x80xf32, #tpu.memory_space<vmem_shared>>
      tpu.wait_dma2 semaphore(%run_scoped3A_86 : memref<!tpu.dma_semaphore, #tpu.memory_space<semaphore_mem>>) src(%arg9 : memref<128x80xf32, #tpu.memory_space<vmem>>) dst(%dma_wait3A_94 : memref<128x80xf32, #tpu.memory_space<vmem_shared>>)
      tpu.yield
    }) : () -> ()
    %dma_wait3A_56 = arith.constant 0 : i32
    %dma_wait3A_57 = arith.constant 0 : i32
    %dma_wait3A_58 = tpu.memref_slice %arg4[%arg1, %dma_wait3A_56, %dma_wait3A_57] : memref<16x157x128xi32, #tpu.memory_space<hbm>> -> memref<1x157x128xi32, #tpu.memory_space<hbm>>
    %dma_wait3A_59 = tpu.memref_squeeze %dma_wait3A_58 : memref<1x157x128xi32, #tpu.memory_space<hbm>> -> memref<157x128xi32, #tpu.memory_space<hbm>>
    %dma_wait3A_60 = arith.constant 0 : i32
    %dma_wait3A_61 = arith.constant 0 : i32
    %dma_wait3A_62 = tpu.memref_slice %arg4[%arg1, %dma_wait3A_60, %dma_wait3A_61] : memref<16x157x128xi32, #tpu.memory_space<hbm>> -> memref<1x157x128xi32, #tpu.memory_space<hbm>>
    %dma_wait3A_63 = tpu.memref_squeeze %dma_wait3A_62 : memref<1x157x128xi32, #tpu.memory_space<hbm>> -> memref<157x128xi32, #tpu.memory_space<hbm>>
    tpu.wait_dma2 semaphore(%arg12 : memref<!tpu.dma_semaphore, #tpu.memory_space<semaphore_mem>>) src(%dma_wait3A_63 : memref<157x128xi32, #tpu.memory_space<hbm>>) dst(%arg7 : memref<157x128xi32, #tpu.memory_space<vmem>>)
    %barrier3A = arith.constant 0 : index
    tpu.barrier barrier_id(%barrier3A)
    %scan3A_64 = arith.constant 0 : i32
    %scan3A_65 = arith.constant 0 : i32
    %scan3A_66 = arith.constant 78 : i32
    %scan3A_67 = arith.addi %scan3A_65, %scan3A_66 : i32
    %scan3A_68 = arith.constant 1 : i32
    scf.for %scan3A_86 = %scan3A_65 to %scan3A_67 step %scan3A_68  : i32 {
      %mul3A_87 = arith.constant 2 : i32
      %mul3A_88 = arith.muli %scan3A_86, %mul3A_87 : i32
      %add3A_89 = arith.constant 1 : i32
      %add3A_90 = arith.addi %mul3A_88, %add3A_89 : i32
      %dma_start3A_91 = arith.constant 0 : i32
      %dma_start3A_92 = tpu.memref_slice %arg6[%add3A_90, %dma_start3A_91] : memref<157x128xi32, #tpu.memory_space<vmem>> -> memref<1x128xi32, #tpu.memory_space<vmem>>
      %dma_start3A_93 = tpu.memref_squeeze %dma_start3A_92 : memref<1x128xi32, #tpu.memory_space<vmem>> -> memref<128xi32, #tpu.memory_space<vmem>>
      %dma_start3A_94 = arith.constant 0 : i32
      %dma_start3A_95 = arith.constant 0 : i32
      %dma_start3A_96 = tpu.memref_slice %arg2[%arg0, %dma_start3A_94, %dma_start3A_95] : memref<2x10240x80xf32, #tpu.memory_space<hbm>> -> memref<1x10240x80xf32, #tpu.memory_space<hbm>>
      %dma_start3A_97 = tpu.memref_squeeze %dma_start3A_96 : memref<1x10240x80xf32, #tpu.memory_space<hbm>> -> memref<10240x80xf32, #tpu.memory_space<hbm>>
      %dma_start3A_98 = arith.constant 0 : i32
      %dma_start3A_99 = arith.constant 0 : i32
      %dma_start3A_100 = tpu.memref_slice %dma_start3A_97[%dma_start3A_98, %dma_start3A_99] : memref<10240x80xf32, #tpu.memory_space<hbm>> -> memref<10240x80xf32, #tpu.memory_space<hbm>>
      tpu.enqueue_indirect_dma source(%dma_start3A_100 : memref<10240x80xf32, #tpu.memory_space<hbm>>) target(%arg9 : memref<128x80xf32, #tpu.memory_space<vmem>>) offsets(%dma_start3A_93 : memref<128xi32, #tpu.memory_space<vmem>>) semaphore(%arg12 : memref<!tpu.dma_semaphore, #tpu.memory_space<semaphore_mem>>)
      %dma_wait3A_101 = arith.constant 0 : i32
      %dma_wait3A_102 = tpu.memref_slice %arg6[%mul3A_88, %dma_wait3A_101] : memref<157x128xi32, #tpu.memory_space<vmem>> -> memref<1x128xi32, #tpu.memory_space<vmem>>
      %dma_wait3A_103 = tpu.memref_squeeze %dma_wait3A_102 : memref<1x128xi32, #tpu.memory_space<vmem>> -> memref<128xi32, #tpu.memory_space<vmem>>
      %dma_wait3A_104 = arith.constant 0 : i32
      %dma_wait3A_105 = arith.constant 0 : i32
      %dma_wait3A_106 = tpu.memref_slice %arg2[%arg0, %dma_wait3A_104, %dma_wait3A_105] : memref<2x10240x80xf32, #tpu.memory_space<hbm>> -> memref<1x10240x80xf32, #tpu.memory_space<hbm>>
      %dma_wait3A_107 = tpu.memref_squeeze %dma_wait3A_106 : memref<1x10240x80xf32, #tpu.memory_space<hbm>> -> memref<10240x80xf32, #tpu.memory_space<hbm>>
      %dma_wait3A_108 = arith.constant 0 : i32
      %dma_wait3A_109 = arith.constant 0 : i32
      %dma_wait3A_110 = tpu.memref_slice %dma_wait3A_107[%dma_wait3A_108, %dma_wait3A_109] : memref<10240x80xf32, #tpu.memory_space<hbm>> -> memref<10240x80xf32, #tpu.memory_space<hbm>>
      tpu.wait_indirect_dma semaphore(%arg11 : memref<!tpu.dma_semaphore, #tpu.memory_space<semaphore_mem>>) src(%dma_wait3A_110 : memref<10240x80xf32, #tpu.memory_space<hbm>>) dst(%arg8 : memref<128x80xf32, #tpu.memory_space<vmem>>)
      "tpu.region"() ({
        %run_scoped3A_137 = tpu.sem_alloc : memref<!tpu.dma_semaphore, #tpu.memory_space<semaphore_mem>>
        %dma_start3A_138 = arith.constant 0 : i32
        %dma_start3A_139 = tpu.memref_slice %arg7[%mul3A_88, %dma_start3A_138] : memref<157x128xi32, #tpu.memory_space<vmem>> -> memref<1x128xi32, #tpu.memory_space<vmem>>
        %dma_start3A_140 = tpu.memref_squeeze %dma_start3A_139 : memref<1x128xi32, #tpu.memory_space<vmem>> -> memref<128xi32, #tpu.memory_space<vmem>>
        %dma_start3A_141 = arith.constant 0 : i32
        %dma_start3A_142 = arith.constant 0 : i32
        %dma_start3A_143 = tpu.memref_slice %arg10[%dma_start3A_141, %dma_start3A_142] : memref<10240x80xf32, #tpu.memory_space<vmem_shared>> -> memref<10240x80xf32, #tpu.memory_space<vmem_shared>>
        tpu.enqueue_indirect_dma source(%arg8 : memref<128x80xf32, #tpu.memory_space<vmem>>) target(%dma_start3A_143 : memref<10240x80xf32, #tpu.memory_space<vmem_shared>>) offsets(%dma_start3A_140 : memref<128xi32, #tpu.memory_space<vmem>>) semaphore(%run_scoped3A_137 : memref<!tpu.dma_semaphore, #tpu.memory_space<semaphore_mem>>) {add = true}
        %dma_wait3A_144 = arith.constant 0 : i32
        %dma_wait3A_145 = tpu.memref_slice %arg7[%mul3A_88, %dma_wait3A_144] : memref<157x128xi32, #tpu.memory_space<vmem>> -> memref<1x128xi32, #tpu.memory_space<vmem>>
        %dma_wait3A_146 = tpu.memref_squeeze %dma_wait3A_145 : memref<1x128xi32, #tpu.memory_space<vmem>> -> memref<128xi32, #tpu.memory_space<vmem>>
        %dma_wait3A_147 = arith.constant 0 : i32
        %dma_wait3A_148 = arith.constant 0 : i32
        %dma_wait3A_149 = tpu.memref_slice %arg10[%dma_wait3A_147, %dma_wait3A_148] : memref<10240x80xf32, #tpu.memory_space<vmem_shared>> -> memref<10240x80xf32, #tpu.memory_space<vmem_shared>>
        tpu.wait_indirect_dma semaphore(%run_scoped3A_137 : memref<!tpu.dma_semaphore, #tpu.memory_space<semaphore_mem>>) src(%arg8 : memref<128x80xf32, #tpu.memory_space<vmem>>) dst(%dma_wait3A_149 : memref<10240x80xf32, #tpu.memory_space<vmem_shared>>)
        tpu.yield
      }) : () -> ()
      %add3A_111 = arith.constant 2 : i32
      %add3A_112 = arith.addi %mul3A_88, %add3A_111 : i32
      %dma_start3A_113 = arith.constant 0 : i32
      %dma_start3A_114 = tpu.memref_slice %arg6[%add3A_112, %dma_start3A_113] : memref<157x128xi32, #tpu.memory_space<vmem>> -> memref<1x128xi32, #tpu.memory_space<vmem>>
      %dma_start3A_115 = tpu.memref_squeeze %dma_start3A_114 : memref<1x128xi32, #tpu.memory_space<vmem>> -> memref<128xi32, #tpu.memory_space<vmem>>
      %dma_start3A_116 = arith.constant 0 : i32
      %dma_start3A_117 = arith.constant 0 : i32
      %dma_start3A_118 = tpu.memref_slice %arg2[%arg0, %dma_start3A_116, %dma_start3A_117] : memref<2x10240x80xf32, #tpu.memory_space<hbm>> -> memref<1x10240x80xf32, #tpu.memory_space<hbm>>
      %dma_start3A_119 = tpu.memref_squeeze %dma_start3A_118 : memref<1x10240x80xf32, #tpu.memory_space<hbm>> -> memref<10240x80xf32, #tpu.memory_space<hbm>>
      %dma_start3A_120 = arith.constant 0 : i32
      %dma_start3A_121 = arith.constant 0 : i32
      %dma_start3A_122 = tpu.memref_slice %dma_start3A_119[%dma_start3A_120, %dma_start3A_121] : memref<10240x80xf32, #tpu.memory_space<hbm>> -> memref<10240x80xf32, #tpu.memory_space<hbm>>
      tpu.enqueue_indirect_dma source(%dma_start3A_122 : memref<10240x80xf32, #tpu.memory_space<hbm>>) target(%arg8 : memref<128x80xf32, #tpu.memory_space<vmem>>) offsets(%dma_start3A_115 : memref<128xi32, #tpu.memory_space<vmem>>) semaphore(%arg11 : memref<!tpu.dma_semaphore, #tpu.memory_space<semaphore_mem>>)
      %add3A_123 = arith.constant 1 : i32
      %add3A_124 = arith.addi %mul3A_88, %add3A_123 : i32
      %dma_wait3A_125 = arith.constant 0 : i32
      %dma_wait3A_126 = tpu.memref_slice %arg6[%add3A_124, %dma_wait3A_125] : memref<157x128xi32, #tpu.memory_space<vmem>> -> memref<1x128xi32, #tpu.memory_space<vmem>>
      %dma_wait3A_127 = tpu.memref_squeeze %dma_wait3A_126 : memref<1x128xi32, #tpu.memory_space<vmem>> -> memref<128xi32, #tpu.memory_space<vmem>>
      %dma_wait3A_128 = arith.constant 0 : i32
      %dma_wait3A_129 = arith.constant 0 : i32
      %dma_wait3A_130 = tpu.memref_slice %arg2[%arg0, %dma_wait3A_128, %dma_wait3A_129] : memref<2x10240x80xf32, #tpu.memory_space<hbm>> -> memref<1x10240x80xf32, #tpu.memory_space<hbm>>
      %dma_wait3A_131 = tpu.memref_squeeze %dma_wait3A_130 : memref<1x10240x80xf32, #tpu.memory_space<hbm>> -> memref<10240x80xf32, #tpu.memory_space<hbm>>
      %dma_wait3A_132 = arith.constant 0 : i32
      %dma_wait3A_133 = arith.constant 0 : i32
      %dma_wait3A_134 = tpu.memref_slice %dma_wait3A_131[%dma_wait3A_132, %dma_wait3A_133] : memref<10240x80xf32, #tpu.memory_space<hbm>> -> memref<10240x80xf32, #tpu.memory_space<hbm>>
      tpu.wait_indirect_dma semaphore(%arg12 : memref<!tpu.dma_semaphore, #tpu.memory_space<semaphore_mem>>) src(%dma_wait3A_134 : memref<10240x80xf32, #tpu.memory_space<hbm>>) dst(%arg9 : memref<128x80xf32, #tpu.memory_space<vmem>>)
      %add3A_135 = arith.constant 1 : i32
      %add3A_136 = arith.addi %mul3A_88, %add3A_135 : i32
      "tpu.region"() ({
        %run_scoped3A_137 = tpu.sem_alloc : memref<!tpu.dma_semaphore, #tpu.memory_space<semaphore_mem>>
        %dma_start3A_138 = arith.constant 0 : i32
        %dma_start3A_139 = tpu.memref_slice %arg7[%add3A_136, %dma_start3A_138] : memref<157x128xi32, #tpu.memory_space<vmem>> -> memref<1x128xi32, #tpu.memory_space<vmem>>
        %dma_start3A_140 = tpu.memref_squeeze %dma_start3A_139 : memref<1x128xi32, #tpu.memory_space<vmem>> -> memref<128xi32, #tpu.memory_space<vmem>>
        %dma_start3A_141 = arith.constant 0 : i32
        %dma_start3A_142 = arith.constant 0 : i32
        %dma_start3A_143 = tpu.memref_slice %arg10[%dma_start3A_141, %dma_start3A_142] : memref<10240x80xf32, #tpu.memory_space<vmem_shared>> -> memref<10240x80xf32, #tpu.memory_space<vmem_shared>>
        tpu.enqueue_indirect_dma source(%arg9 : memref<128x80xf32, #tpu.memory_space<vmem>>) target(%dma_start3A_143 : memref<10240x80xf32, #tpu.memory_space<vmem_shared>>) offsets(%dma_start3A_140 : memref<128xi32, #tpu.memory_space<vmem>>) semaphore(%run_scoped3A_137 : memref<!tpu.dma_semaphore, #tpu.memory_space<semaphore_mem>>) {add = true}
        %dma_wait3A_144 = arith.constant 0 : i32
        %dma_wait3A_145 = tpu.memref_slice %arg7[%add3A_136, %dma_wait3A_144] : memref<157x128xi32, #tpu.memory_space<vmem>> -> memref<1x128xi32, #tpu.memory_space<vmem>>
        %dma_wait3A_146 = tpu.memref_squeeze %dma_wait3A_145 : memref<1x128xi32, #tpu.memory_space<vmem>> -> memref<128xi32, #tpu.memory_space<vmem>>
        %dma_wait3A_147 = arith.constant 0 : i32
        %dma_wait3A_148 = arith.constant 0 : i32
        %dma_wait3A_149 = tpu.memref_slice %arg10[%dma_wait3A_147, %dma_wait3A_148] : memref<10240x80xf32, #tpu.memory_space<vmem_shared>> -> memref<10240x80xf32, #tpu.memory_space<vmem_shared>>
        tpu.wait_indirect_dma semaphore(%run_scoped3A_137 : memref<!tpu.dma_semaphore, #tpu.memory_space<semaphore_mem>>) src(%arg9 : memref<128x80xf32, #tpu.memory_space<vmem>>) dst(%dma_wait3A_149 : memref<10240x80xf32, #tpu.memory_space<vmem_shared>>)
        tpu.yield
      }) : () -> ()
    }
    %scan3A_69 = arith.constant 78 : i32
    %dma_wait3A_70 = arith.constant 156 : i32
    %dma_wait3A_71 = arith.constant 0 : i32
    %dma_wait3A_72 = tpu.memref_slice %arg6[%dma_wait3A_70, %dma_wait3A_71] : memref<157x128xi32, #tpu.memory_space<vmem>> -> memref<1x128xi32, #tpu.memory_space<vmem>>
    %dma_wait3A_73 = tpu.memref_squeeze %dma_wait3A_72 : memref<1x128xi32, #tpu.memory_space<vmem>> -> memref<128xi32, #tpu.memory_space<vmem>>
    %dma_wait3A_74 = arith.constant 0 : i32
    %dma_wait3A_75 = arith.constant 0 : i32
    %dma_wait3A_76 = tpu.memref_slice %arg2[%arg0, %dma_wait3A_74, %dma_wait3A_75] : memref<2x10240x80xf32, #tpu.memory_space<hbm>> -> memref<1x10240x80xf32, #tpu.memory_space<hbm>>
    %dma_wait3A_77 = tpu.memref_squeeze %dma_wait3A_76 : memref<1x10240x80xf32, #tpu.memory_space<hbm>> -> memref<10240x80xf32, #tpu.memory_space<hbm>>
    %dma_wait3A_78 = arith.constant 0 : i32
    %dma_wait3A_79 = arith.constant 0 : i32
    %dma_wait3A_80 = tpu.memref_slice %dma_wait3A_77[%dma_wait3A_78, %dma_wait3A_79] : memref<10240x80xf32, #tpu.memory_space<hbm>> -> memref<10240x80xf32, #tpu.memory_space<hbm>>
    tpu.wait_indirect_dma semaphore(%arg11 : memref<!tpu.dma_semaphore, #tpu.memory_space<semaphore_mem>>) src(%dma_wait3A_80 : memref<10240x80xf32, #tpu.memory_space<hbm>>) dst(%arg8 : memref<128x80xf32, #tpu.memory_space<vmem>>)
    %run_scoped3A = arith.constant 156 : i32
    "tpu.region"() ({
      %run_scoped3A_86 = tpu.sem_alloc : memref<!tpu.dma_semaphore, #tpu.memory_space<semaphore_mem>>
      %dma_start3A_87 = arith.constant 0 : i32
      %dma_start3A_88 = tpu.memref_slice %arg7[%run_scoped3A, %dma_start3A_87] : memref<157x128xi32, #tpu.memory_space<vmem>> -> memref<1x128xi32, #tpu.memory_space<vmem>>
      %dma_start3A_89 = tpu.memref_squeeze %dma_start3A_88 : memref<1x128xi32, #tpu.memory_space<vmem>> -> memref<128xi32, #tpu.memory_space<vmem>>
      %dma_start3A_90 = arith.constant 0 : i32
      %dma_start3A_91 = arith.constant 0 : i32
      %dma_start3A_92 = tpu.memref_slice %arg10[%dma_start3A_90, %dma_start3A_91] : memref<10240x80xf32, #tpu.memory_space<vmem_shared>> -> memref<10240x80xf32, #tpu.memory_space<vmem_shared>>
      tpu.enqueue_indirect_dma source(%arg8 : memref<128x80xf32, #tpu.memory_space<vmem>>) target(%dma_start3A_92 : memref<10240x80xf32, #tpu.memory_space<vmem_shared>>) offsets(%dma_start3A_89 : memref<128xi32, #tpu.memory_space<vmem>>) semaphore(%run_scoped3A_86 : memref<!tpu.dma_semaphore, #tpu.memory_space<semaphore_mem>>) {add = true}
      %dma_wait3A_93 = arith.constant 0 : i32
      %dma_wait3A_94 = tpu.memref_slice %arg7[%run_scoped3A, %dma_wait3A_93] : memref<157x128xi32, #tpu.memory_space<vmem>> -> memref<1x128xi32, #tpu.memory_space<vmem>>
      %dma_wait3A_95 = tpu.memref_squeeze %dma_wait3A_94 : memref<1x128xi32, #tpu.memory_space<vmem>> -> memref<128xi32, #tpu.memory_space<vmem>>
      %dma_wait3A_96 = arith.constant 0 : i32
      %dma_wait3A_97 = arith.constant 0 : i32
      %dma_wait3A_98 = tpu.memref_slice %arg10[%dma_wait3A_96, %dma_wait3A_97] : memref<10240x80xf32, #tpu.memory_space<vmem_shared>> -> memref<10240x80xf32, #tpu.memory_space<vmem_shared>>
      tpu.wait_indirect_dma semaphore(%run_scoped3A_86 : memref<!tpu.dma_semaphore, #tpu.memory_space<semaphore_mem>>) src(%arg8 : memref<128x80xf32, #tpu.memory_space<vmem>>) dst(%dma_wait3A_98 : memref<10240x80xf32, #tpu.memory_space<vmem_shared>>)
      tpu.yield
    }) : () -> ()
    %barrier3A_81 = arith.constant 0 : index
    tpu.barrier barrier_id(%barrier3A_81)
    %mul3A_82 = arith.constant 640 : i32
    %mul3A_83 = arith.muli %arg1, %mul3A_82 : i32
    %mul3A_84 = arith.constant 640 : i32
    %mul3A_85 = arith.muli %arg1, %mul3A_84 : i32
    "tpu.region"() ({
      %run_scoped3A_86 = tpu.sem_alloc : memref<!tpu.dma_semaphore, #tpu.memory_space<semaphore_mem>>
      %dma_start3A_87 = arith.constant 0 : i32
      %dma_start3A_88 = tpu.memref_slice %arg5[%arg0, %mul3A_85, %dma_start3A_87] : memref<2x10240x80xf32, #tpu.memory_space<hbm>> -> memref<1x640x80xf32, #tpu.memory_space<hbm>>
      %dma_start3A_89 = tpu.memref_squeeze %dma_start3A_88 : memref<1x640x80xf32, #tpu.memory_space<hbm>> -> memref<640x80xf32, #tpu.memory_space<hbm>>
      %dma_start3A_90 = arith.constant 0 : i32
      %dma_start3A_91 = tpu.memref_slice %arg10[%mul3A_83, %dma_start3A_90] : memref<10240x80xf32, #tpu.memory_space<vmem_shared>> -> memref<640x80xf32, #tpu.memory_space<vmem_shared>>
      tpu.enqueue_dma source(%dma_start3A_91 : memref<640x80xf32, #tpu.memory_space<vmem_shared>>) target(%dma_start3A_89 : memref<640x80xf32, #tpu.memory_space<hbm>>) target_semaphore(%run_scoped3A_86 : memref<!tpu.dma_semaphore, #tpu.memory_space<semaphore_mem>>)
      %dma_wait3A_92 = arith.constant 0 : i32
      %dma_wait3A_93 = tpu.memref_slice %arg5[%arg0, %mul3A_85, %dma_wait3A_92] : memref<2x10240x80xf32, #tpu.memory_space<hbm>> -> memref<1x640x80xf32, #tpu.memory_space<hbm>>
      %dma_wait3A_94 = tpu.memref_squeeze %dma_wait3A_93 : memref<1x640x80xf32, #tpu.memory_space<hbm>> -> memref<640x80xf32, #tpu.memory_space<hbm>>
      %dma_wait3A_95 = arith.constant 0 : i32
      %dma_wait3A_96 = tpu.memref_slice %arg10[%mul3A_83, %dma_wait3A_95] : memref<10240x80xf32, #tpu.memory_space<vmem_shared>> -> memref<640x80xf32, #tpu.memory_space<vmem_shared>>
      tpu.wait_dma2 semaphore(%run_scoped3A_86 : memref<!tpu.dma_semaphore, #tpu.memory_space<semaphore_mem>>) src(%dma_wait3A_96 : memref<640x80xf32, #tpu.memory_space<vmem_shared>>) dst(%dma_wait3A_94 : memref<640x80xf32, #tpu.memory_space<hbm>>)
      tpu.yield
    }) : () -> ()
    return
  }
}

</mosaic_0001>

<sc_bundles>
// kernel: _sc_scatter.3.cloned.1.call-start
scs
__scs_entry_jumppad:
0x0: {  	(pc) =	sbr.rel $0x88, $3  }
0x1: {  	(tag) =	ssettag $0x0;
	lr =	simm.s32 $0x1  }
0x2: {  	[smem:$0x3F9E] =	sst lr;
	_ =	strace $0xD0000000  }
0x3: {  	_ = 	snop  }
0x4: {  	_ = 	snop  }
0x5: {  	_ = 	snop  }
0x6: {  	_ = 	snop  }
0x7: {  	_ = 	snop  }
__scs_overlays_trampoline_lowered:
0x8: {  	[smem:$0x3FAD] =	sst s0  }
0x9: {  	[smem:$0x3FAE] =	sst s1  }
0xa: {  	[smem:$0x3FAF] =	sst s2  }
0xb: {  	[smem:$0x3FB0] =	sst s3  }
0xc: {  	[smem:$0x3FB1] =	sst s4  }
0xd: {  	[smem:$0x3FB2] =	sst s5  }
0xe: {  	[smem:$0x3FB3] =	sst s6  }
0xf: {  	[smem:$0x3FB4] =	sst s7  }
0x10: {  	[smem:$0x3FB5] =	sst s8  }
0x11: {  	[smem:$0x3FB6] =	sst s9;
	s0 =	simm.s32 @!p0 $0x0  }
0x12: {  	s1 =	sld [smem:$0x3F9C];
	s0 =	simm.s32 @p0 $0x1  }
0x13: {  	[smem:$0x3FB7] =	sst s0;
	s0 =	simm.s32 @!p1 $0x0  }
0x14: {  	s2 =	sld [smem:$0x3F9B];
	s0 =	simm.s32 @p1 $0x1  }
0x15: {  	[smem:$0x3FB8] =	sst s0;
	s0 =	simm.s32 @!p2 $0x0  }
0x16: {  	s3 =	sld [smem:$0x3FDB];
	s0 =	simm.s32 @p2 $0x1  }
0x17: {  	s4 =	simm.s32 $0x1BF5;
	[smem:$0x3FBA] =	sst s0  }
0x18: {  	s0 =	sld [smem:$0x3F9D];
	_ =	swait.ge [sflag:s4], $0x0  }
0x19: {  	s7 =	sld [smem:$0x3F9E]  }
0x1a: {  	s8 =	sadd.s32 $0xFFFFE003, lr  }
0x1b: {  	s9 =	sadd.s32 $0xFFFFFEF7, lr;
	s5 =	simm.s32 $0xFFFFFFFF;
	p2 =	slt.u32 s8, $0xFFFFF086  }
0x1c: {  	p1 =	slt.u32 s9, $0xF7A;
	s5 =	simm.s32 @!p2 $0x0  }
0x1d: {  	s5 =	simm.s32 @p1 $0x1;
	p0 =	seq.s32 s7, s2  }
0x1e: {  	s7 =	smul.u32 @!p0 $0xF7A, s2;
	p2 =	seq.s32 @!p0 s5, $0x0  }
0x1f: {  	s9 =	smul.u32 $0xF7A, s1;
	s8 =	simm.s32 @!p0 $0x1BF5;
	p2 =	por !p2, p0  }
0x20: {  	[sflag:s8] =	ssyncset.s32 @!p0 $0xFFFFF086;
	s6 =	sadd.s32 @!p0 s3, s7;
	s7 =	simm.s32 @!p0 $0x108  }
0x21: {  	s3 =	sadd.s32 s3, s9;
	s6 =	sadd.s32 @!p0 $0x88, s6;
	s7 =	simm.s32 @p2 $0x1082  }
0x22: {  	[simem:s7], [sflag:s8] =	dma.local @!p0 [hbm:s6], $0xF7A  }
0x23: {  	s9 =	sor.u32 $0xD0000000, s2;
	s6 =	simm.s32 $0x108;
	_ =	swait.ge @!p0 [sflag:s8], $0x0  }
0x24: {  	s3 =	sadd.s32 $0x88, s3;
	s6 =	simm.s32 @!p1 $0x1082;
	[sflag:s4] =	ssyncset.s32 $0xFFFFF086  }
0x25: {  	[simem:s6], [sflag:s4] =	dma.local [hbm:s3], $0xF7A  }
0x26: {  	[smem:$0x3F9E] =	sst s1;
	(tag) =	ssettag s2;
	_ =	strace s9  }
0x27: {  	s1 =	sld [smem:$0x3FAE]  }
0x28: {  	s2 =	sld [smem:$0x3FAF]  }
0x29: {  	s4 =	sld [smem:$0x3FB1]  }
0x2a: {  	p0 =	seq.s32 s5, $0x0;
	s5 =	sld [smem:$0x3FB2]  }
0x2b: {  	s6 =	sld [smem:$0x3FB3]  }
0x2c: {  	s7 =	sld [smem:$0x3FB4]  }
0x2d: {  	s3 =	simm.s32 $0x108;
	s8 =	sld [smem:$0x3FB5]  }
0x2e: {  	s3 =	simm.s32 @!p0 $0x1082;
	s9 =	sld [smem:$0x3FB6]  }
0x2f: {  	lr =	sadd.s32 s0, s3;
	s0 =	sld [smem:$0x3FAD]  }
0x30: {  	s3 =	sld [smem:$0x3FB0]  }
0x31: {  	[smem:$0x3FB9] =	sst s10  }
0x32: {  	s10 =	sld [smem:$0x3FB7];
	_ =	sdelay $0x3  }
0x33: {  	p0 =	seq.s32 s10, $0x1;
	s10 =	sld [smem:$0x3FB9];
	_ =	sdelay $0x3  }
0x34: {  	[smem:$0x3FB9] =	sst s10  }
0x35: {  	s10 =	sld [smem:$0x3FB8];
	_ =	sdelay $0x3  }
0x36: {  	p1 =	seq.s32 s10, $0x1;
	s10 =	sld [smem:$0x3FB9];
	_ =	sdelay $0x3  }
0x37: {  	[smem:$0x3FB9] =	sst s10  }
0x38: {  	s10 =	sld [smem:$0x3FBA]  }
0x39: {  	_ = 	snop;
	(pc) =	sbr.ind lr, $3  }
0x3a: {  	_ = 	snop  }
0x3b: {  	_ = 	snop  }
0x3c: {  	p2 =	seq.s32 s10, $0x1;
	s10 =	sld [smem:$0x3FB9]  }
0x3d: {  	_ =	shalt  }
0x3e: {  	_ =	shalt  }
0x3f: {  	_ =	shalt  }
0x40: {  	_ =	shalt  }
0x41: {  	_ =	shalt  }
0x42: {  	_ =	shalt  }
0x43: {  	_ =	shalt  }
0x44: {  	_ =	shalt  }
0x45: {  	_ =	shalt  }
0x46: {  	_ =	shalt  }
0x47: {  	_ =	shalt  }
0x48: {  	_ =	shalt  }
0x49: {  	_ =	shalt  }
0x4a: {  	_ =	shalt  }
0x4b: {  	_ =	shalt  }
0x4c: {  	_ =	shalt  }
0x4d: {  	_ =	shalt  }
0x4e: {  	_ =	shalt  }
0x4f: {  	_ =	shalt  }
0x50: {  	_ =	shalt  }
0x51: {  	_ =	shalt  }
0x52: {  	_ =	shalt  }
0x53: {  	_ =	shalt  }
0x54: {  	_ =	shalt  }
0x55: {  	_ =	shalt  }
0x56: {  	_ =	shalt  }
0x57: {  	_ =	shalt  }
0x58: {  	_ =	shalt  }
0x59: {  	_ =	shalt  }
0x5a: {  	_ =	shalt  }
0x5b: {  	_ =	shalt  }
0x5c: {  	_ =	shalt  }
0x5d: {  	_ =	shalt  }
0x5e: {  	_ =	shalt  }
0x5f: {  	_ =	shalt  }
0x60: {  	_ =	shalt  }
0x61: {  	_ =	shalt  }
0x62: {  	_ =	shalt  }
0x63: {  	_ =	shalt  }
0x64: {  	_ =	shalt  }
0x65: {  	_ =	shalt  }
0x66: {  	_ =	shalt  }
0x67: {  	_ =	shalt  }
0x68: {  	_ =	shalt  }
0x69: {  	_ =	shalt  }
0x6a: {  	_ =	shalt  }
0x6b: {  	_ =	shalt  }
0x6c: {  	_ =	shalt  }
0x6d: {  	_ =	shalt  }
0x6e: {  	_ =	shalt  }
0x6f: {  	_ =	shalt  }
0x70: {  	_ =	shalt  }
0x71: {  	_ =	shalt  }
0x72: {  	_ =	shalt  }
0x73: {  	_ =	shalt  }
0x74: {  	_ =	shalt  }
0x75: {  	_ =	shalt  }
0x76: {  	_ =	shalt  }
0x77: {  	_ =	shalt  }
0x78: {  	_ =	shalt  }
0x79: {  	_ =	shalt  }
0x7a: {  	_ =	shalt  }
0x7b: {  	_ =	shalt  }
0x7c: {  	_ =	shalt  }
0x7d: {  	_ =	shalt  }
0x7e: {  	_ =	shalt  }
0x7f: {  	_ =	shalt  }
0x80: {  	_ =	shalt  }
0x81: {  	_ =	shalt  }
0x82: {  	_ =	shalt  }
0x83: {  	_ =	shalt  }
0x84: {  	_ =	shalt  }
0x85: {  	_ =	shalt  }
0x86: {  	_ =	shalt  }
0x87: {  	_ =	shalt  }
.Lfunc_end0:
.L_simem_size_0:
called_computation_lowered:
.L_overlay_start_0:
0x88: {  	s2 =	sld [smem:$0x3FD9]  }
0x89: {  	s3 =	sld [smem:$0x3FFE];
	_ =	sdelay $0x1  }
0x8a: {  	s1 =	srdreg.scid  }
0x8b: {  	s0 =	sand.u32 $0x1, s1  }
0x8c: {  	s17 =	sshll.u32 s0, $0xA;
	s2 =	sadd.s32 s3, s2  }
0x8d: {  	s2 =	sadd.s32 s2, s17  }
0x8e: {  	[smem:$0x3FC5] =	sst s2  }
0x8f: {  	_ = 	snop  }
0x90: {  	s2 =	sld [smem:$0x3FD0];
	(tm) =	ssettm $0x1  }
0x91: {  	s18 =	sld [smem:$0x3FFB];
	_ =	sdelay $0x3  }
0x92: {  	_ =	strace s18  }
0x93: {  	s3 =	sld [smem:$0x3FFC];
	_ =	sdelay $0x3  }
0x94: {  	_ =	strace s3  }
0x95: {  	s3 =	sld [smem:$0x3FFD];
	_ =	sdelay $0x3  }
0x96: {  	_ =	strace s3  }
0x97: {  	_ =	strace $0x8FFFFFFF  }
0x98: {  	s19 =	sld [smem:$0x3FDB];
	_ =	sdelay $0x1  }
0x99: {  	s4 =	simm.s32 $_scs_section_size  }
0x9a: {  	s5 =	simm.s32 $_size__tile_overlayer_lowered;
	s6 =	simm.s32 $_tile_overlayer_lowered  }
0x9b: {  	s22 =	simm.s32 $0x1BFF;
	s21 =	sshll.u32 s6, $0x1;
	s3 =	sadd.s32 s4, s19  }
0x9c: {  	s7 =	simm.s32 $0x0;
	s20 =	sshll.u32 s5, $0x1;
	s5 =	sadd.s32 s21, s3  }
0x9d: {  	[timem:s7], [sflag:s22] =	dma.local [hbm:s5], s20  }
0x9e: {  	_ =	swait.ge [sflag:s22], s20  }
0x9f: {  	s4 =	ssub.s32 $0x0, s20;
	[sflag:s22] =	ssyncset.done $0x0  }
0xa0: {  	[sflag:s22] =	ssyncadd.s32 s4;
	_ =	sdelay $0x1  }
0xa1: {  	s23 =	simm.s32 $0x1B8B  }
0xa2: {  	_ =	swait.ge [sflag:s23], $0x1  }
0xa3: {  	[sflag:s23] =	ssyncset.done $0x0  }
0xa4: {  	s25 =	simm.s32 $0x1B8E;
	s24 =	sld [smem:$0x3FFE];
	[sflag:s23] =	ssyncadd.s32 $0xFFFFFFFF  }
0xa5: {  	s26 =	simm.s32 $execute0_lowered;
	[smem:$0x3FD2] =	sst s25  }
0xa6: {  	s5 =	sshll.u32 s26, $0x1;
	_ =	strace $0x80000046;
	[dreg:$0x1] =	wrdreg $0xFFFFFFFF  }
0xa7: {  	s28 =	simm.s32 $_size_execute0_lowered;
	s3 =	sadd.s32 s3, s5;
	[dreg:$0x0] =	wrdreg $0x0  }
0xa8: {  	s5 =	sshll.u32 s28, $0x1;
	[dreg:$0x2] =	wrdreg s3  }
0xa9: {  	[dreg:$0x3] =	wrdreg s5  }
0xaa: {  	[dreg:$0x4] =	wrdreg $0xC0  }
0xab: {  	_ =	task [dreg:s7], $0x5FFFF  }
0xac: {  	[dreg:$0x1] =	wrdreg $0xFFFFFFFF  }
0xad: {  	[dreg:$0x0] =	wrdreg $0x60  }
0xae: {  	[dreg:$0x2] =	wrdreg s2  }
0xaf: {  	[dreg:$0x3] =	wrdreg s24  }
0xb0: {  	[dreg:$0x4] =	wrdreg $0xED000  }
0xb1: {  	[dreg:$0x5] =	wrdreg $0x9  }
0xb2: {  	_ =	task.clear_ibuf [dreg:s7], $0x6FFFF;
	_ =	strace $0x90000046  }
0xb3: {  	s29 =	simm.s32 $0x9;
	_ =	strace $0x80000048  }
0xb4: {  	_ =	swait.ge [sflag:s29], $0x1  }
0xb5: {  	[sflag:s29] =	ssyncadd.s32 $0xFFFFFFFF  }
0xb6: {  	_ =	strace $0x90000048  }
0xb7: {  	_ =	sfence  }
0xb8: {  	s30 =	sld [smem:$0x0];
	_ =	sdelay $0x2  }
0xb9: {  	s31 =	sshll.u32 s1, $0xD;
	s1 =	sshrl.u32 s1, $0x2  }
0xba: {  	s3 =	sand.u32 $0x4000, s31;
	s1 =	sadd.s32 s1, s30  }
0xbb: {  	s0 =	sor.u32 s3, s0;
	s1 =	sshll.u32 s1, $0x11  }
0xbc: {  	s0 =	sor.u32 s1, s0  }
0xbd: {  	s0 =	sadd.s32 $0x8F2B, s0  }
0xbe: {  	[sflag:s0] =	ssyncadd.remote.s32 $0x1  }
0xbf: {  	_ =	sfence.sel $0xFFFF  }
0xc0: {  	[dreg:$0x0] =	wrdreg $0xFFFFFFFF;
	(pc) =	sbr.abs _section_cstart, $3  }
0xc1: {  	[dreg:$0x1] =	wrdreg $0xFFFFFFFF  }
0xc2: {  	_ =	task.clear_ibuf [dreg:s7], $0x2FFFF;
	_ =	strace $0x9FFFFFFF  }
0xc3: {  	(tm) =	ssettm $0x7FFFFFFF  }
tec
execute0_lowered:
.L_overlay_start_1:
0x0: {  	(tag) =	ssettag $0x1  }
0x1: {  	s6 =	rddreg [dreg:$0x0]  }
0x2: {  	s4 =	rddreg [dreg:$0x1]  }
0x3: {  	s0 =	stileid.u32;
	s1 =	srdreg.scid  }
0x4: {  	s2 =	rddreg [dreg:$0x2];
	s3 =	simm.s32 $0x0;
	s15 =	simm.s32 $0x1  }
0x5: {  	s16 =	simm.s32 $0x80;
	s17 =	simm.s32 $0x9D00;
	s18 =	simm.s32 $0xC500  }
0x6: {  	s19 =	simm.s32 $0x3;
	s20 =	simm.s32 $0x2;
	s5 =	smul.u32 $0x9D0, s0  }
0x7: {  	s21 =	simm.s32 $0x9C80;
	s22 =	simm.s32 $0x0;
	s9 =	smul.u32 $0xC800, s0  }
0x8: {  	s7 =	sand.u32 $0x1, s1;
	s1 =	rddreg [dreg:$0x3];
	s12 =	smul.u32 $0x32000, s0  }
0x9: {  	[smem:$0x7FF] =	sst s3;
	s8 =	smul.u32 $0xC8000, s7;
	s7 =	ssub.s32 $0x2, s7  }
0xa: {  	_ =	strace $0x80000047;
	s5 =	sadd.s32 s5, s4;
	s11 =	sshrl.u32 s7, $0x1  }
0xb: {  	s30 =	sshrl.u32 s12, $0x2;
	s10 =	sadd.s32 s9, s8;
	s14 =	ssub.s32 s7, s11  }
0xc: {  	s29 =	sshrl.u32 s8, $0x3;
	s7 =	sadd.s32 s9, s2;
	s31 =	sadd.s32 s30, s2  }
0xd: {  	s10 =	sshrl.u32 s10, $0x3;
	s6 =	sadd.s32 s6, s29;
	s8 =	sadd.s32 $0x2800, s31  }
0xe: {  	s9 =	sadd.s32 $0x5000, s31;
	s11 =	sadd.s32 $0xA000, s31;
	s13 =	sadd.s32 s10, s4  }
0xf: {  	s4 =	sadd.s32 $0xA600, s5;
	s5 =	sadd.s32 $0x800, s5;
	s10 =	sadd.s32 $0x7800, s31  }
0x10: {  	v0 =	vimm.f32 $0.0e+00;
	s12 =	sadd.s32 $0x14400, s13;
	s13 =	smax.u32 s14, $0x1;
	s14 =	simm.s32 $0x4E80  }
.LBB2_1:
0x11: {  	[tilespmem:s3], [sflag:$0x1] =	stream.linear.gather [hbm4b:s4+s3], $0x4E80, $0x38;
	[tilespmem:$0x1B500] =	vst v63  }
0x12: {  	s23 =	smul.u32 $0xCCCD, s3  }
0x13: {  	[tilespmem:s14], [sflag:$0x2] =	stream.linear.gather [hbm4b:s5+s3], $0x4E80, $0x38;
	[tilespmem:$0x1B500] =	vst v63  }
0x14: {  	s24 =	sshrl.u32 s23, $0x12  }
0x15: {  	s25 =	simm.s32 $0x0;
	s23 =	simm.s32 $0x1;
	s26 =	smul.u32 $0x5, s24  }
.LBB2_2:
0x16: {  	s28 =	smul.u32 $0xCCCD, s23  }
0x17: {  	s29 =	smov.u32 s23;
	s24 =	smul.u32 $0x140, s24;
	p0 =	sne.s32 s23, $0x27F  }
.Ltmp0:
0x18: {  	s25 =	ssub.s32 s25, s26;
	(pc) =	sbr.rel @p0 .LBB2_2-.Ltmp0, $4  }
0x19: {  	s23 =	sadd.s32 $0x1, s23;
	s25 =	sand.u32 $0xFFFF, s25  }
0x1a: {  	s26 =	sshrl.u32 s24, $0x2;
	s30 =	sshll.u32 s25, $0x4;
	s25 =	smov.u32 s29  }
0x1b: {  	s24 =	sshrl.u32 s28, $0x12;
	s28 =	sadd.s32 s30, s26  }
0x1c: {  	s26 =	smul.u32 $0x5, s24;
	[tilespmem:s28+$0xC500] =	vst v0  }
0x1d: {  	_ = 	snop  }
0x1e: {  	s24 =	smul.u32 $0x140, s24;
	s23 =	ssub.s32 s25, s26  }
0x1f: {  	s23 =	sand.u32 $0xFFFF, s23  }
0x20: {  	s24 =	sshrl.u32 s24, $0x2;
	s23 =	sshll.u32 s23, $0x4  }
0x21: {  	s23 =	sadd.s32 s23, s24  }
0x22: {  	[tilespmem:s23+$0xC500] =	vst v0  }
0x23: {  	_ =	swait.ge [sflag:s15], $0x4E80  }
0x24: {  	[sflag:s15] =	ssyncset.done $0x0  }
0x25: {  	s26 =	simm.s32 $0x0;
	[sflag:s15] =	ssyncadd.s32 $0xFFFFB180  }
0x26: {  	[tilespmem:s17], [sflag:$0x1] =	stream.indirect.gather [hbm4b:s6+s16], $0x50, s26, s16, $0xb8;
	[tilespmem:$0x1B500] =	vst v63  }
0x27: {  	_ = 	snop  }
0x28: {  	[spmem:s7] =	stream.linear.scatter [tilespmem:s18], [sflag:$0x3], $0x2800, $0x38;
	[tilespmem:$0x1B500] =	vst v63  }
0x29: {  	_ =	swait.ge [sflag:s19], $0x2800  }
0x2a: {  	[sflag:s19] =	ssyncset.done $0x0  }
0x2b: {  	[sflag:s19] =	ssyncadd.s32 $0xFFFFD800  }
0x2c: {  	[spmem:s8] =	stream.linear.scatter [tilespmem:s18], [sflag:$0x3], $0x2800, $0x38;
	[tilespmem:$0x1B500] =	vst v63  }
0x2d: {  	_ =	swait.ge [sflag:s19], $0x2800  }
0x2e: {  	[sflag:s19] =	ssyncset.done $0x0  }
0x2f: {  	[sflag:s19] =	ssyncadd.s32 $0xFFFFD800  }
0x30: {  	[spmem:s9] =	stream.linear.scatter [tilespmem:s18], [sflag:$0x3], $0x2800, $0x38;
	[tilespmem:$0x1B500] =	vst v63  }
0x31: {  	_ =	swait.ge [sflag:s19], $0x2800  }
0x32: {  	[sflag:s19] =	ssyncset.done $0x0  }
0x33: {  	[sflag:s19] =	ssyncadd.s32 $0xFFFFD800  }
0x34: {  	[spmem:s10] =	stream.linear.scatter [tilespmem:s18], [sflag:$0x3], $0x2800, $0x38;
	[tilespmem:$0x1B500] =	vst v63  }
0x35: {  	_ =	swait.ge [sflag:s19], $0x2800  }
0x36: {  	[sflag:s19] =	ssyncset.done $0x0  }
0x37: {  	[sflag:s19] =	ssyncadd.s32 $0xFFFFD800  }
0x38: {  	[spmem:s11] =	stream.linear.scatter [tilespmem:s18], [sflag:$0x3], $0x2800, $0x38;
	[tilespmem:$0x1B500] =	vst v63  }
0x39: {  	_ =	swait.ge [sflag:s19], $0x2800  }
0x3a: {  	[sflag:s19] =	ssyncset.done $0x0  }
0x3b: {  	[sflag:s19] =	ssyncadd.s32 $0xFFFFD800  }
0x3c: {  	_ =	swait.ge [sflag:s20], $0x4E80  }
0x3d: {  	[sflag:s20] =	ssyncset.done $0x0  }
0x3e: {  	[sflag:s20] =	ssyncadd.s32 $0xFFFFB180  }
0x3f: {  	s28 =	simm.s32 $0x80;
	[bflag:$0x0] =	sbarrier.arrive $0xFFFF  }
0x40: {  	[tilespmem:s18], [sflag:$0x2] =	stream.indirect.gather [hbm4b:s6+s16], $0x50, s28, s16, $0xb8;
	[tilespmem:$0x1B500] =	vst v63  }
0x41: {  	_ =	swait.ge [sflag:s15], $0x2800  }
0x42: {  	[sflag:s15] =	ssyncset.done $0x0  }
0x43: {  	s29 =	simm.s32 $0x4E80;
	[sflag:s15] =	ssyncadd.s32 $0xFFFFD800  }
0x44: {  	[spmem:s2] =	stream.indirect.scatter.add.f32 [tilespmem:s17], [sflag:$0x3], $0x50, s29, s16, $0xb8;
	[tilespmem:$0x1B500] =	vst v63  }
0x45: {  	_ =	swait.ge [sflag:s19], $0x2800  }
0x46: {  	[sflag:s19] =	ssyncset.done $0x0  }
0x47: {  	s30 =	simm.s32 $0x100;
	[sflag:s19] =	ssyncadd.s32 $0xFFFFD800  }
0x48: {  	[tilespmem:s17], [sflag:$0x1] =	stream.indirect.gather [hbm4b:s6+s16], $0x50, s30, s16, $0xb8;
	[tilespmem:$0x1B500] =	vst v63  }
0x49: {  	_ =	swait.ge [sflag:s20], $0x2800  }
0x4a: {  	[sflag:s20] =	ssyncset.done $0x0  }
0x4b: {  	s31 =	simm.s32 $0x4F00;
	[sflag:s20] =	ssyncadd.s32 $0xFFFFD800  }
0x4c: {  	[spmem:s2] =	stream.indirect.scatter.add.f32 [tilespmem:s18], [sflag:$0x3], $0x50, s31, s16, $0xb8;
	[tilespmem:$0x1B500] =	vst v63  }
0x4d: {  	_ =	swait.ge [sflag:s19], $0x2800  }
0x4e: {  	s24 =	simm.s32 $0x800;
	s23 =	simm.s32 $0x100;
	[sflag:s19] =	ssyncset.done $0x0  }
.LBB2_4:
0x4f: {  	s25 =	sadd.s32 $0x80, s23  }
0x50: {  	[sflag:s19] =	ssyncadd.s32 $0xFFFFD800;
	s26 =	smov.u32 s24;
	s28 =	sadd.s32 $0x400, s24  }
0x51: {  	[tilespmem:s18], [sflag:$0x2] =	stream.indirect.gather [hbm4b:s6+s16], $0x50, s25, s16, $0xb8;
	[tilespmem:$0x1B500] =	vst v63  }
0x52: {  	p0 =	sne.s32 s24, $0x13400;
	_ =	swait.ge [sflag:s15], $0x2800  }
0x53: {  	[sflag:s15] =	ssyncset.done $0x0  }
0x54: {  	s24 =	sadd.s32 $0x4E80, s23;
	[sflag:s15] =	ssyncadd.s32 $0xFFFFD800  }
0x55: {  	[spmem:s2] =	stream.indirect.scatter.add.f32 [tilespmem:s17], [sflag:$0x3], $0x50, s24, s16, $0xb8;
	[tilespmem:$0x1B500] =	vst v63  }
0x56: {  	_ =	swait.ge [sflag:s19], $0x2800  }
0x57: {  	[sflag:s19] =	ssyncset.done $0x0  }
0x58: {  	s24 =	sadd.s32 $0x100, s23;
	[sflag:s19] =	ssyncadd.s32 $0xFFFFD800  }
0x59: {  	[tilespmem:s17], [sflag:$0x1] =	stream.indirect.gather [hbm4b:s6+s16], $0x50, s24, s16, $0xb8;
	[tilespmem:$0x1B500] =	vst v63  }
0x5a: {  	_ =	swait.ge [sflag:s20], $0x2800  }
.Ltmp1:
0x5b: {  	[sflag:s20] =	ssyncset.done $0x0;
	(pc) =	sbr.rel @p0 .LBB2_4-.Ltmp1, $4  }
0x5c: {  	s23 =	sadd.s32 $0x4F00, s23;
	[sflag:s20] =	ssyncadd.s32 $0xFFFFD800  }
0x5d: {  	[spmem:s2] =	stream.indirect.scatter.add.f32 [tilespmem:s18], [sflag:$0x3], $0x50, s23, s16, $0xb8;
	[tilespmem:$0x1B500] =	vst v63  }
0x5e: {  	_ =	swait.ge [sflag:s19], $0x2800  }
0x5f: {  	s24 =	smov.u32 s28;
	s23 =	sshra.s32 s26, $0x2;
	[sflag:s19] =	ssyncset.done $0x0  }
0x60: {  	s24 =	sadd.s32 $0x80, s23;
	[sflag:s19] =	ssyncadd.s32 $0xFFFFD800  }
0x61: {  	[tilespmem:s18], [sflag:$0x2] =	stream.indirect.gather [hbm4b:s6+s16], $0x50, s24, s16, $0xb8;
	[tilespmem:$0x1B500] =	vst v63  }
0x62: {  	_ =	swait.ge [sflag:s15], $0x2800  }
0x63: {  	[sflag:s15] =	ssyncset.done $0x0  }
0x64: {  	s26 =	sadd.s32 $0x4E80, s23;
	[sflag:s15] =	ssyncadd.s32 $0xFFFFD800  }
0x65: {  	[spmem:s2] =	stream.indirect.scatter.add.f32 [tilespmem:s17], [sflag:$0x3], $0x50, s26, s16, $0xb8;
	[tilespmem:$0x1B500] =	vst v63  }
0x66: {  	_ =	swait.ge [sflag:s19], $0x2800  }
0x67: {  	[sflag:s19] =	ssyncset.done $0x0  }
0x68: {  	s28 =	sadd.s32 $0x100, s23;
	[sflag:s19] =	ssyncadd.s32 $0xFFFFD800  }
0x69: {  	[tilespmem:s17], [sflag:$0x1] =	stream.indirect.gather [hbm4b:s6+s16], $0x50, s28, s16, $0xb8;
	[tilespmem:$0x1B500] =	vst v63  }
0x6a: {  	_ =	swait.ge [sflag:s20], $0x2800  }
0x6b: {  	[sflag:s20] =	ssyncset.done $0x0  }
0x6c: {  	s29 =	sadd.s32 $0x4F00, s23;
	[sflag:s20] =	ssyncadd.s32 $0xFFFFD800  }
0x6d: {  	[spmem:s2] =	stream.indirect.scatter.add.f32 [tilespmem:s18], [sflag:$0x3], $0x50, s29, s16, $0xb8;
	[tilespmem:$0x1B500] =	vst v63  }
0x6e: {  	_ =	swait.ge [sflag:s19], $0x2800  }
0x6f: {  	[sflag:s19] =	ssyncset.done $0x0  }
0x70: {  	[sflag:s19] =	ssyncadd.s32 $0xFFFFD800  }
0x71: {  	_ =	swait.ge [sflag:s15], $0x2800  }
0x72: {  	[sflag:s15] =	ssyncset.done $0x0  }
0x73: {  	[sflag:s15] =	ssyncadd.s32 $0xFFFFD800  }
0x74: {  	[spmem:s2] =	stream.indirect.scatter.add.f32 [tilespmem:s17], [sflag:$0x3], $0x50, s21, s16, $0xb8;
	[tilespmem:$0x1B500] =	vst v63  }
0x75: {  	_ =	swait.ge [sflag:s19], $0x2800  }
0x76: {  	s30 =	sshll.u32 s0, $0x6;
	s22 =	sadd.s32 $0x1, s22;
	[sflag:s19] =	ssyncset.done $0x0  }
0x77: {  	s31 =	sshrl.u32 s7, $0x3;
	p0 =	sne.s32 s22, s13;
	[sflag:s19] =	ssyncadd.s32 $0xFFFFD800  }
.Ltmp2:
0x78: {  	s23 =	sor.u32 $0x1C03, s30;
	[bflag:$0x0] =	sbarrier.arrive $0xFFFF;
	(pc) =	sbr.rel @p0 .LBB2_1-.Ltmp2, $4  }
0x79: {  	[hbm:s12], [sflag:s23] =	dma.local [spmem:s31], $0x1900  }
0x7a: {  	_ =	swait.ge [sflag:s19], $0x1900  }
0x7b: {  	[sflag:s19] =	ssyncset.done $0x0  }
0x7c: {  	[sflag:s19] =	ssyncadd.s32 $0xFFFFE700  }
0x7d: {  	_ =	sfence.sel $0x180000  }
0x7e: {  	[bflag:$0x0] =	sbarrier.arrive $0xFFFF  }
0x7f: {  	p0 =	sne.s32 s0, $0x0;
	_ =	strace $0x90000047  }
0x80: {  	s0 =	sadd.s32 @!p0 $0x100000, s1;
	[bflag:$0x2] =	sbarrier.arrive $0xFFFF  }
0x81: {  	[sflag:s0] =	ssyncadd.tile.s32 @!p0 $0x1;
	_ =	shalt  }
.Lfunc_end2:
_tile_overlayer_lowered:
.L_overlay_start_2:
0x82: {  	(tag) =	ssettag $0x2  }
0x83: {  	s0 =	rddreg [dreg:$0x0];
	s2 =	stileid.u32  }
0x84: {  	s1 =	rddreg [dreg:$0x1];
	p0 =	sne.s32 s2, $0x0  }
0x85: {  	s3 =	rddreg [dreg:$0x2];
	[bflag:$0x3] =	sbarrier.arrive $0xFFFF;
	s2 =	simm.s32 @!p0 $0x1C03  }
0x86: {  	[timem:s3], [sflag:s2] =	dma.local @!p0 [hbm:s0], s1  }
0x87: {  	s0 =	simm.s32 @!p0 $0x3  }
0x88: {  	_ =	swait.ge @!p0 [sflag:s0], s1  }
0x89: {  	s1 =	ssub.s32 @!p0 $0x0, s1;
	[sflag:s0] =	ssyncset.done @!p0 $0x0  }
0x8a: {  	[sflag:s0] =	ssyncadd.s32 @!p0 s1  }
0x8b: {  	[bflag:$0x3] =	sbarrier.arrive $0xFFFF  }
0x8c: {  	_ =	shalt  }

</sc_bundles>
